<compile_context>
chip_gen: v7x
topology: tpu7x:2x2x1
jax: 0.10.2.dev20260603
libtpu: 0.0.44.dev20260713+nightly
codegen_flags: <defaults>
</compile_context>

<pallas_src>
import jax
import jax.numpy as jnp
from jax import lax
from jax.experimental import pallas as pl
from jax.experimental.pallas import tpu as pltpu
from jax.experimental.pallas import tpu_sc as plsc

_NC = 2
_NS = 16
_NW = _NC * _NS
_BN = 4096


def _project_body(tblT_ref, w_ref, out_ref):
    out_ref[...] = lax.dot_general(
        tblT_ref[...], w_ref[...], (((0,), (1,)), ((), ())),
        preferred_element_type=jnp.float32)


def _sc_gather_body(batch, per_w_a, per_w_b,
                    text_hbm, p_hbm, rows_hbm, part_hbm,
                    idx_a, rows_a, idx_b, rows_b, part_v, sem):
    wid = lax.axis_index("s") * _NC + lax.axis_index("c")
    base_a = wid * per_w_a
    pltpu.sync_copy(text_hbm.at[pl.ds(base_a, per_w_a)], idx_a)
    pltpu.async_copy(p_hbm.at[idx_a], rows_a, sem).wait()
    pltpu.sync_copy(rows_a, rows_hbm.at[pl.ds(base_a, per_w_a)])

    base_b = batch + wid * per_w_b
    pltpu.sync_copy(text_hbm.at[pl.ds(base_b, per_w_b)], idx_b)
    pltpu.async_copy(p_hbm.at[idx_b], rows_b, sem).wait()

    def row_body(i, acc):
        return acc + rows_b[i, :]

    acc = lax.fori_loop(0, per_w_b, row_body, jnp.zeros((16,), jnp.float32))
    part_v[0, :] = acc
    pltpu.sync_copy(part_v, part_hbm.at[pl.ds(wid, 1)])


def _combine_body(n_tokens, batch, rows_ref, part_ref, b_ref, out_ref):
    psum = jnp.sum(part_ref[...], axis=0, keepdims=True)
    rows = rows_ref[...]
    row_ids = lax.broadcasted_iota(jnp.int32, (batch, 1), 0)
    is_last = row_ids == (batch - 1)
    bag = rows + jnp.where(is_last, 1.0, 0.0) * psum
    inv = jnp.where(is_last, 1.0 / float(n_tokens - batch + 1), 1.0)
    out_ref[...] = bag * inv + b_ref[...]


def kernel(text, offsets, table, W, b):
    n_tokens = text.shape[0]
    batch = offsets.shape[0]
    vocab, d = table.shape
    c = W.shape[0]
    assert batch % _NW == 0
    per_w_a = batch // _NW
    rest = n_tokens - batch
    assert rest % _NW == 0
    per_w_b = rest // _NW

    grid = pl.cdiv(vocab, _BN)
    proj = pl.pallas_call(
        _project_body,
        grid=(grid,),
        in_specs=[
            pl.BlockSpec((d, _BN), lambda i: (0, i)),
            pl.BlockSpec((c, d), lambda i: (0, 0)),
        ],
        out_specs=pl.BlockSpec((_BN, c), lambda i: (i, 0)),
        out_shape=jax.ShapeDtypeStruct((vocab, c), jnp.float32),
    )(table.T, W)

    rows, part = pl.kernel(
        lambda *refs: _sc_gather_body(batch, per_w_a, per_w_b, *refs),
        out_type=(jax.ShapeDtypeStruct((batch, c), jnp.float32),
                  jax.ShapeDtypeStruct((_NW, c), jnp.float32)),
        mesh=plsc.VectorSubcoreMesh(core_axis_name="c", subcore_axis_name="s",
                                    num_cores=_NC, num_subcores=_NS),
        scratch_types=[
            pltpu.VMEM((per_w_a,), jnp.int32),
            pltpu.VMEM((per_w_a, c), jnp.float32),
            pltpu.VMEM((per_w_b,), jnp.int32),
            pltpu.VMEM((per_w_b, c), jnp.float32),
            pltpu.VMEM((1, c), jnp.float32),
            pltpu.SemaphoreType.DMA,
        ],
        compiler_params=pltpu.CompilerParams(use_tc_tiling_on_sc=False),
        name="embedding_bag_sc_gather",
    )(text, proj)

    out = pl.pallas_call(
        lambda *refs: _combine_body(n_tokens, batch, *refs),
        out_shape=jax.ShapeDtypeStruct((batch, c), jnp.float32),
    )(rows, part, b.reshape(1, c))
    return out

# --- scband reference (transcript-rebuilt; emitter-appended) ---
"""Pipeline reference for scband-embedding-bag-linear-model-27264452395289 (READ-ONLY COPY).

The authoritative reference and input builder live on the scoring server;
editing this copy changes nothing except your own understanding.
"""

import jax, jax.numpy as jnp
import numpy as np

VOCAB = 1000000
EMBED_DIM = 32
NUM_CLASS = 16
N_TOKENS = 204800
BATCH = 4096

def setup_inputs(seed: int = 0) -> dict:
    key = jax.random.key(seed)
    k1, k2, k3 = jax.random.split(key, 3)
    text = jax.random.randint(k1, (N_TOKENS,), 0, VOCAB, dtype=jnp.int64 if jax.config.jax_enable_x64 else jnp.int32).astype(jnp.int32)
    offsets = jnp.arange(BATCH, dtype=jnp.int32)
    table = jax.random.uniform(k2, (VOCAB, EMBED_DIM), minval=-0.5, maxval=0.5, dtype=jnp.float32)
    W = jax.random.uniform(k3, (NUM_CLASS, EMBED_DIM), minval=-0.5, maxval=0.5, dtype=jnp.float32)
    b = jnp.zeros((NUM_CLASS,), dtype=jnp.float32)
    return {"text": text, "offsets": offsets, "table": table, "W": W, "b": b}

def reference(text, offsets, table, W, b):
    N = text.shape[0]
    B = offsets.shape[0]
    # EmbeddingBag (mode='mean'): gather rows then mean-reduce per bag defined by offsets
    gathered = jnp.take(table, text, axis=0)  # [N, D]
    token_pos = jnp.arange(N, dtype=offsets.dtype)
    seg_ids = jnp.searchsorted(offsets, token_pos, side='right') - 1  # [N]
    sums = jax.ops.segment_sum(gathered, seg_ids, num_segments=B)  # [B, D]
    ends = jnp.concatenate([offsets[1:], jnp.array([N], dtype=offsets.dtype)])
    counts = (ends - offsets).astype(jnp.float32)
    mean = sums / jnp.maximum(counts, 1.0)[:, None]  # [B, D]
    # Linear layer
    return mean @ W.T + b

if __name__ == "__main__":
    import jax
    _d = setup_inputs()
    print(jax.jit(kernel)(*tuple(_d.values())))

</pallas_src>

<mosaic_0001>
#map = affine_map<(d0, d1) -> (0)>
#map1 = affine_map<(d0, d1) -> (0, 0)>
module attributes {stable_mosaic.version = 14 : i64} {
  func.func @embedding_bag_sc_gather(%arg0: i32, %arg1: i32, %arg2: memref<204800xi32, #tpu.memory_space<hbm>>, %arg3: memref<1000000x16xf32, #tpu.memory_space<hbm>>, %arg4: memref<4096x16xf32, #tpu.memory_space<hbm>>, %arg5: memref<32x16xf32, #tpu.memory_space<hbm>>, %arg6: memref<128xi32, #tpu.memory_space<vmem>>, %arg7: memref<128x16xf32, #tpu.memory_space<vmem>>, %arg8: memref<6272xi32, #tpu.memory_space<vmem>>, %arg9: memref<6272x16xf32, #tpu.memory_space<vmem>>, %arg10: memref<1x16xf32, #tpu.memory_space<vmem>>, %arg11: memref<!tpu.dma_semaphore, #tpu.memory_space<semaphore_mem>>) attributes {dimension_semantics = [#tpu.dimension_semantics<core_parallel>, #tpu.dimension_semantics<subcore_parallel>], iteration_bounds = array<i64: 2, 16>, scalar_prefetch = 0 : i64, scratch_operands = 6 : i64, tpu.core_type = #tpu.core_type<sc_vector_subcore>, window_params = [{transform_indices = #map}, {transform_indices = #map1}, {transform_indices = #map1}, {transform_indices = #map1}]} {
    %mul3A = arith.constant 2 : i32
    %mul3A_0 = arith.muli %arg1, %mul3A : i32
    %add3A = arith.addi %mul3A_0, %arg0 : i32
    %mul3A_1 = arith.constant 128 : i32
    %mul3A_2 = arith.muli %add3A, %mul3A_1 : i32
    "tpu.region"() ({
      %run_scoped3A = tpu.sem_alloc : memref<!tpu.dma_semaphore, #tpu.memory_space<semaphore_mem>>
      %dma_start3A_28 = tpu.memref_slice %arg2[%mul3A_2] : memref<204800xi32, #tpu.memory_space<hbm>> -> memref<128xi32, #tpu.memory_space<hbm>>
      %dma_start3A_29 = tpu.memref_slice %arg2[%mul3A_2] : memref<204800xi32, #tpu.memory_space<hbm>> -> memref<128xi32, #tpu.memory_space<hbm>>
      tpu.enqueue_dma source(%dma_start3A_29 : memref<128xi32, #tpu.memory_space<hbm>>) target(%arg6 : memref<128xi32, #tpu.memory_space<vmem>>) target_semaphore(%run_scoped3A : memref<!tpu.dma_semaphore, #tpu.memory_space<semaphore_mem>>)
      %dma_wait3A_30 = tpu.memref_slice %arg2[%mul3A_2] : memref<204800xi32, #tpu.memory_space<hbm>> -> memref<128xi32, #tpu.memory_space<hbm>>
      %dma_wait3A_31 = tpu.memref_slice %arg2[%mul3A_2] : memref<204800xi32, #tpu.memory_space<hbm>> -> memref<128xi32, #tpu.memory_space<hbm>>
      tpu.wait_dma2 semaphore(%run_scoped3A : memref<!tpu.dma_semaphore, #tpu.memory_space<semaphore_mem>>) src(%dma_wait3A_31 : memref<128xi32, #tpu.memory_space<hbm>>) dst(%arg6 : memref<128xi32, #tpu.memory_space<vmem>>)
      tpu.yield
    }) : () -> ()
    %dma_start3A = arith.constant 0 : i32
    %dma_start3A_3 = arith.constant 0 : i32
    %dma_start3A_4 = tpu.memref_slice %arg3[%dma_start3A, %dma_start3A_3] : memref<1000000x16xf32, #tpu.memory_space<hbm>> -> memref<1000000x16xf32, #tpu.memory_space<hbm>>
    tpu.enqueue_indirect_dma source(%dma_start3A_4 : memref<1000000x16xf32, #tpu.memory_space<hbm>>) target(%arg7 : memref<128x16xf32, #tpu.memory_space<vmem>>) offsets(%arg6 : memref<128xi32, #tpu.memory_space<vmem>>) semaphore(%arg11 : memref<!tpu.dma_semaphore, #tpu.memory_space<semaphore_mem>>)
    %dma_wait3A = arith.constant 0 : i32
    %dma_wait3A_5 = arith.constant 0 : i32
    %dma_wait3A_6 = tpu.memref_slice %arg3[%dma_wait3A, %dma_wait3A_5] : memref<1000000x16xf32, #tpu.memory_space<hbm>> -> memref<1000000x16xf32, #tpu.memory_space<hbm>>
    tpu.wait_indirect_dma semaphore(%arg11 : memref<!tpu.dma_semaphore, #tpu.memory_space<semaphore_mem>>) src(%dma_wait3A_6 : memref<1000000x16xf32, #tpu.memory_space<hbm>>) dst(%arg7 : memref<128x16xf32, #tpu.memory_space<vmem>>)
    "tpu.region"() ({
      %run_scoped3A = tpu.sem_alloc : memref<!tpu.dma_semaphore, #tpu.memory_space<semaphore_mem>>
      %dma_start3A_28 = arith.constant 0 : i32
      %dma_start3A_29 = tpu.memref_slice %arg4[%mul3A_2, %dma_start3A_28] : memref<4096x16xf32, #tpu.memory_space<hbm>> -> memref<128x16xf32, #tpu.memory_space<hbm>>
      %dma_start3A_30 = arith.constant 0 : i32
      %dma_start3A_31 = tpu.memref_slice %arg4[%mul3A_2, %dma_start3A_30] : memref<4096x16xf32, #tpu.memory_space<hbm>> -> memref<128x16xf32, #tpu.memory_space<hbm>>
      tpu.enqueue_dma source(%arg7 : memref<128x16xf32, #tpu.memory_space<vmem>>) target(%dma_start3A_31 : memref<128x16xf32, #tpu.memory_space<hbm>>) target_semaphore(%run_scoped3A : memref<!tpu.dma_semaphore, #tpu.memory_space<semaphore_mem>>)
      %dma_wait3A_32 = arith.constant 0 : i32
      %dma_wait3A_33 = tpu.memref_slice %arg4[%mul3A_2, %dma_wait3A_32] : memref<4096x16xf32, #tpu.memory_space<hbm>> -> memref<128x16xf32, #tpu.memory_space<hbm>>
      %dma_wait3A_34 = arith.constant 0 : i32
      %dma_wait3A_35 = tpu.memref_slice %arg4[%mul3A_2, %dma_wait3A_34] : memref<4096x16xf32, #tpu.memory_space<hbm>> -> memref<128x16xf32, #tpu.memory_space<hbm>>
      tpu.wait_dma2 semaphore(%run_scoped3A : memref<!tpu.dma_semaphore, #tpu.memory_space<semaphore_mem>>) src(%arg7 : memref<128x16xf32, #tpu.memory_space<vmem>>) dst(%dma_wait3A_35 : memref<128x16xf32, #tpu.memory_space<hbm>>)
      tpu.yield
    }) : () -> ()
    %mul3A_7 = arith.constant 6272 : i32
    %mul3A_8 = arith.muli %add3A, %mul3A_7 : i32
    %add3A_9 = arith.constant 4096 : i32
    %add3A_10 = arith.addi %add3A_9, %mul3A_8 : i32
    "tpu.region"() ({
      %run_scoped3A = tpu.sem_alloc : memref<!tpu.dma_semaphore, #tpu.memory_space<semaphore_mem>>
      %dma_start3A_28 = tpu.memref_slice %arg2[%add3A_10] : memref<204800xi32, #tpu.memory_space<hbm>> -> memref<6272xi32, #tpu.memory_space<hbm>>
      %dma_start3A_29 = tpu.memref_slice %arg2[%add3A_10] : memref<204800xi32, #tpu.memory_space<hbm>> -> memref<6272xi32, #tpu.memory_space<hbm>>
      tpu.enqueue_dma source(%dma_start3A_29 : memref<6272xi32, #tpu.memory_space<hbm>>) target(%arg8 : memref<6272xi32, #tpu.memory_space<vmem>>) target_semaphore(%run_scoped3A : memref<!tpu.dma_semaphore, #tpu.memory_space<semaphore_mem>>)
      %dma_wait3A_30 = tpu.memref_slice %arg2[%add3A_10] : memref<204800xi32, #tpu.memory_space<hbm>> -> memref<6272xi32, #tpu.memory_space<hbm>>
      %dma_wait3A_31 = tpu.memref_slice %arg2[%add3A_10] : memref<204800xi32, #tpu.memory_space<hbm>> -> memref<6272xi32, #tpu.memory_space<hbm>>
      tpu.wait_dma2 semaphore(%run_scoped3A : memref<!tpu.dma_semaphore, #tpu.memory_space<semaphore_mem>>) src(%dma_wait3A_31 : memref<6272xi32, #tpu.memory_space<hbm>>) dst(%arg8 : memref<6272xi32, #tpu.memory_space<vmem>>)
      tpu.yield
    }) : () -> ()
    %dma_start3A_11 = arith.constant 0 : i32
    %dma_start3A_12 = arith.constant 0 : i32
    %dma_start3A_13 = tpu.memref_slice %arg3[%dma_start3A_11, %dma_start3A_12] : memref<1000000x16xf32, #tpu.memory_space<hbm>> -> memref<1000000x16xf32, #tpu.memory_space<hbm>>
    tpu.enqueue_indirect_dma source(%dma_start3A_13 : memref<1000000x16xf32, #tpu.memory_space<hbm>>) target(%arg9 : memref<6272x16xf32, #tpu.memory_space<vmem>>) offsets(%arg8 : memref<6272xi32, #tpu.memory_space<vmem>>) semaphore(%arg11 : memref<!tpu.dma_semaphore, #tpu.memory_space<semaphore_mem>>)
    %dma_wait3A_14 = arith.constant 0 : i32
    %dma_wait3A_15 = arith.constant 0 : i32
    %dma_wait3A_16 = tpu.memref_slice %arg3[%dma_wait3A_14, %dma_wait3A_15] : memref<1000000x16xf32, #tpu.memory_space<hbm>> -> memref<1000000x16xf32, #tpu.memory_space<hbm>>
    tpu.wait_indirect_dma semaphore(%arg11 : memref<!tpu.dma_semaphore, #tpu.memory_space<semaphore_mem>>) src(%dma_wait3A_16 : memref<1000000x16xf32, #tpu.memory_space<hbm>>) dst(%arg9 : memref<6272x16xf32, #tpu.memory_space<vmem>>)
    %broadcast_in_dim3A = arith.constant 0.000000e+00 : f32
    %broadcast_in_dim3A_17 = vector.broadcast %broadcast_in_dim3A : f32 to vector<16xf32>
    %scan3A = arith.constant 0 : i32
    %scan3A_18 = arith.constant 6272 : i32
    %scan3A_19 = arith.addi %scan3A, %scan3A_18 : i32
    %scan3A_20 = arith.constant 1 : i32
    %scan3A_21 = scf.for %scan3A_28 = %scan3A to %scan3A_19 step %scan3A_20 iter_args(%scan3A_29 = %broadcast_in_dim3A_17) -> (vector<16xf32>)  : i32 {
      %get3A = arith.index_cast %scan3A_28 : i32 to index
      %get3A_30 = arith.constant 0 : index
      %get3A_31 = tpu.vector_load %arg9[%get3A, %get3A_30] {strides = array<i32>} : memref<6272x16xf32, #tpu.memory_space<vmem>>, vector<1x16xf32>,
      %get3A_32 = vector.shape_cast %get3A_31 : vector<1x16xf32> to vector<16xf32>
      %add3A_33 = arith.addf %scan3A_29, %get3A_32 : vector<16xf32>
      scf.yield %add3A_33 : vector<16xf32>
    }
    %scan3A_22 = arith.constant 6272 : i32
    %swap3A = arith.constant 0 : i32
    %swap3A_23 = arith.index_cast %swap3A : i32 to index
    %swap3A_24 = arith.constant 0 : index
    %swap3A_25 = tpu.vector_load %arg10[%swap3A_23, %swap3A_24] {strides = array<i32>} : memref<1x16xf32, #tpu.memory_space<vmem>>, vector<1x16xf32>,
    %swap3A_26 = vector.shape_cast %swap3A_25 : vector<1x16xf32> to vector<16xf32>
    %swap3A_27 = vector.shape_cast %scan3A_21 : vector<16xf32> to vector<1x16xf32>
    tpu.vector_store %arg10[%swap3A_23, %swap3A_24], %swap3A_27 {strides = array<i32>} : memref<1x16xf32, #tpu.memory_space<vmem>>, vector<1x16xf32>,
    "tpu.region"() ({
      %run_scoped3A = tpu.sem_alloc : memref<!tpu.dma_semaphore, #tpu.memory_space<semaphore_mem>>
      %dma_start3A_28 = arith.constant 0 : i32
      %dma_start3A_29 = tpu.memref_slice %arg5[%add3A, %dma_start3A_28] : memref<32x16xf32, #tpu.memory_space<hbm>> -> memref<1x16xf32, #tpu.memory_space<hbm>>
      %dma_start3A_30 = arith.constant 0 : i32
      %dma_start3A_31 = tpu.memref_slice %arg5[%add3A, %dma_start3A_30] : memref<32x16xf32, #tpu.memory_space<hbm>> -> memref<1x16xf32, #tpu.memory_space<hbm>>
      tpu.enqueue_dma source(%arg10 : memref<1x16xf32, #tpu.memory_space<vmem>>) target(%dma_start3A_31 : memref<1x16xf32, #tpu.memory_space<hbm>>) target_semaphore(%run_scoped3A : memref<!tpu.dma_semaphore, #tpu.memory_space<semaphore_mem>>)
      %dma_wait3A_32 = arith.constant 0 : i32
      %dma_wait3A_33 = tpu.memref_slice %arg5[%add3A, %dma_wait3A_32] : memref<32x16xf32, #tpu.memory_space<hbm>> -> memref<1x16xf32, #tpu.memory_space<hbm>>
      %dma_wait3A_34 = arith.constant 0 : i32
      %dma_wait3A_35 = tpu.memref_slice %arg5[%add3A, %dma_wait3A_34] : memref<32x16xf32, #tpu.memory_space<hbm>> -> memref<1x16xf32, #tpu.memory_space<hbm>>
      tpu.wait_dma2 semaphore(%run_scoped3A : memref<!tpu.dma_semaphore, #tpu.memory_space<semaphore_mem>>) src(%arg10 : memref<1x16xf32, #tpu.memory_space<vmem>>) dst(%dma_wait3A_35 : memref<1x16xf32, #tpu.memory_space<hbm>>)
      tpu.yield
    }) : () -> ()
    return
  }
}

module attributes {stable_mosaic.version = 14 : i64} {
  func.func @_project_body(%arg0: i32, %arg1: memref<32x4096xf32, #tpu.memory_space<vmem>>, %arg2: memref<16x32xf32, #tpu.memory_space<vmem>>, %arg3: memref<4096x16xf32, #tpu.memory_space<vmem>>) attributes {dimension_semantics = [#tpu.dimension_semantics<arbitrary>], iteration_bounds = array<i64: 245>, scalar_prefetch = 0 : i64, scratch_operands = 0 : i64, tpu.core_type = #tpu.core_type<tc>, window_params = [{transform_indices = @transform_0, window_bounds = array<i64: 32, 4096>}, {pipeline_mode = #tpu.pipeline_mode<synchronous>, transform_indices = @transform_1, window_bounds = array<i64: 16, 32>}, {transform_indices = @transform_2, window_bounds = array<i64: 4096, 16>}]} {
    %get3A = arith.constant 0 : index
    %get3A_0 = arith.constant 0 : index
    %get3A_1 = vector.load %arg1[%get3A, %get3A_0] : memref<32x4096xf32, #tpu.memory_space<vmem>>, vector<32x4096xf32>
    %get3A_2 = arith.constant 0 : index
    %get3A_3 = arith.constant 0 : index
    %get3A_4 = vector.load %arg2[%get3A_2, %get3A_3] : memref<16x32xf32, #tpu.memory_space<vmem>>, vector<16x32xf32>
    %dot_general3A = arith.constant dense<0.000000e+00> : vector<4096x16xf32>
    %dot_general3A_5 = tpu.matmul %get3A_1, %get3A_4, %dot_general3A {dimension_numbers = #tpu.dot_dimension_numbers<[0], [1], [1], [0], [0, 1, 1, 0], [], []>, transpose_lhs_hint = false} : vector<32x4096xf32>, vector<16x32xf32>, vector<4096x16xf32> -> vector<4096x16xf32>
    %swap3A = arith.constant 0 : index
    %swap3A_6 = arith.constant 0 : index
    %swap3A_7 = vector.load %arg3[%swap3A, %swap3A_6] : memref<4096x16xf32, #tpu.memory_space<vmem>>, vector<4096x16xf32>
    tpu.vector_store %arg3[%swap3A, %swap3A_6], %dot_general3A_5 {strides = array<i32>} : memref<4096x16xf32, #tpu.memory_space<vmem>>, vector<4096x16xf32>,
    return
  }
  func.func @transform_0(%arg0: i32) -> (i32, i32) {
    %c0_i32 = arith.constant 0 : i32
    %c0_i32_0 = arith.constant 0 : i32
    return %c0_i32, %arg0 : i32, i32
  }
  func.func @transform_1(%arg0: i32) -> (i32, i32) {
    %c0_i32 = arith.constant 0 : i32
    %c0_i32_0 = arith.constant 0 : i32
    %c0_i32_1 = arith.constant 0 : i32
    return %c0_i32, %c0_i32_0 : i32, i32
  }
  func.func @transform_2(%arg0: i32) -> (i32, i32) {
    %c0_i32 = arith.constant 0 : i32
    %c0_i32_0 = arith.constant 0 : i32
    return %arg0, %c0_i32 : i32, i32
  }
}

module attributes {stable_mosaic.version = 14 : i64} {
  func.func @_lambda_(%arg0: memref<4096x16xf32, #tpu.memory_space<vmem>>, %arg1: memref<32x16xf32, #tpu.memory_space<vmem>>, %arg2: memref<1x16xf32, #tpu.memory_space<vmem>>, %arg3: memref<4096x16xf32, #tpu.memory_space<vmem>>) attributes {dimension_semantics = [], scalar_prefetch = 0 : i64, scratch_operands = 0 : i64, tpu.core_type = #tpu.core_type<tc>} {
    %get3A = arith.constant 0 : index
    %get3A_0 = arith.constant 0 : index
    %get3A_1 = vector.load %arg1[%get3A, %get3A_0] : memref<32x16xf32, #tpu.memory_space<vmem>>, vector<32x16xf32>
    %reduce_sum3A = arith.constant dense<0.000000e+00> : vector<16xf32>
    %reduce_sum3A_2 = vector.multi_reduction <add>, %get3A_1, %reduce_sum3A [0] : vector<32x16xf32> to vector<16xf32>
    %broadcast_in_dim3A = vector.shape_cast %reduce_sum3A_2 : vector<16xf32> to vector<1x16xf32>
    %get3A_3 = arith.constant 0 : index
    %get3A_4 = arith.constant 0 : index
    %get3A_5 = vector.load %arg0[%get3A_3, %get3A_4] : memref<4096x16xf32, #tpu.memory_space<vmem>>, vector<4096x16xf32>
    %iota3A = tpu.iota {dimensions = array<i32: 0>} : vector<4096x1xi32>
    %eq3A = arith.constant 4095 : i32
    %eq3A_6 = vector.broadcast %eq3A : i32 to vector<4096x1xi32>
    %eq3A_7 = arith.cmpi eq, %iota3A, %eq3A_6 : vector<4096x1xi32>
    %jit3A = arith.constant 1.000000e+00 : f32
    %jit3A_8 = arith.constant 0.000000e+00 : f32
    %broadcast_in_dim3A_9 = vector.broadcast %jit3A : f32 to vector<4096x1xf32>
    %broadcast_in_dim3A_10 = vector.broadcast %jit3A_8 : f32 to vector<4096x1xf32>
    %select_n3A = arith.select %eq3A_7, %broadcast_in_dim3A_9, %broadcast_in_dim3A_10 : vector<4096x1xi1>, vector<4096x1xf32>
    %mul3A = vector.broadcast %select_n3A : vector<4096x1xf32> to vector<4096x16xf32>
    %mul3A_11 = vector.broadcast %broadcast_in_dim3A : vector<1x16xf32> to vector<4096x16xf32>
    %mul3A_12 = arith.mulf %mul3A, %mul3A_11 : vector<4096x16xf32>
    %add3A = arith.addf %get3A_5, %mul3A_12 : vector<4096x16xf32>
    %jit3A_13 = arith.constant 4.98243708E-6 : f32
    %jit3A_14 = arith.constant 1.000000e+00 : f32
    %broadcast_in_dim3A_15 = vector.broadcast %jit3A_13 : f32 to vector<4096x1xf32>
    %broadcast_in_dim3A_16 = vector.broadcast %jit3A_14 : f32 to vector<4096x1xf32>
    %select_n3A_17 = arith.select %eq3A_7, %broadcast_in_dim3A_15, %broadcast_in_dim3A_16 : vector<4096x1xi1>, vector<4096x1xf32>
    %mul3A_18 = vector.broadcast %select_n3A_17 : vector<4096x1xf32> to vector<4096x16xf32>
    %mul3A_19 = arith.mulf %add3A, %mul3A_18 : vector<4096x16xf32>
    %get3A_20 = arith.constant 0 : index
    %get3A_21 = arith.constant 0 : index
    %get3A_22 = vector.load %arg2[%get3A_20, %get3A_21] : memref<1x16xf32, #tpu.memory_space<vmem>>, vector<1x16xf32>
    %add3A_23 = vector.broadcast %get3A_22 : vector<1x16xf32> to vector<4096x16xf32>
    %add3A_24 = arith.addf %mul3A_19, %add3A_23 : vector<4096x16xf32>
    %swap3A = arith.constant 0 : index
    %swap3A_25 = arith.constant 0 : index
    %swap3A_26 = vector.load %arg3[%swap3A, %swap3A_25] : memref<4096x16xf32, #tpu.memory_space<vmem>>, vector<4096x16xf32>
    tpu.vector_store %arg3[%swap3A, %swap3A_25], %add3A_24 {strides = array<i32>} : memref<4096x16xf32, #tpu.memory_space<vmem>>, vector<4096x16xf32>,
    return
  }
}

</mosaic_0001>

<sc_bundles>
// kernel: embedding_bag_sc_gather.3.cloned.1.call-start
scs
__scs_entry_jumppad:
0x0: {  	(pc) =	sbr.rel $0x88, $3  }
0x1: {  	(tag) =	ssettag $0x0;
	lr =	simm.s32 $0x1  }
0x2: {  	[smem:$0x3F9D] =	sst lr;
	_ =	strace $0xD0000000  }
0x3: {  	_ = 	snop  }
0x4: {  	_ = 	snop  }
0x5: {  	_ = 	snop  }
0x6: {  	_ = 	snop  }
0x7: {  	_ = 	snop  }
__scs_overlays_trampoline_lowered:
0x8: {  	[smem:$0x3FAC] =	sst s0  }
0x9: {  	[smem:$0x3FAD] =	sst s1  }
0xa: {  	[smem:$0x3FAE] =	sst s2  }
0xb: {  	[smem:$0x3FAF] =	sst s3  }
0xc: {  	[smem:$0x3FB0] =	sst s4  }
0xd: {  	[smem:$0x3FB1] =	sst s5  }
0xe: {  	[smem:$0x3FB2] =	sst s6  }
0xf: {  	[smem:$0x3FB3] =	sst s7  }
0x10: {  	[smem:$0x3FB4] =	sst s8  }
0x11: {  	[smem:$0x3FB5] =	sst s9;
	s0 =	simm.s32 @!p0 $0x0  }
0x12: {  	s1 =	sld [smem:$0x3F9B];
	s0 =	simm.s32 @p0 $0x1  }
0x13: {  	[smem:$0x3FB6] =	sst s0;
	s0 =	simm.s32 @!p1 $0x0  }
0x14: {  	s2 =	sld [smem:$0x3F9A];
	s0 =	simm.s32 @p1 $0x1  }
0x15: {  	[smem:$0x3FB7] =	sst s0;
	s0 =	simm.s32 @!p2 $0x0  }
0x16: {  	s3 =	sld [smem:$0x3FDB];
	s0 =	simm.s32 @p2 $0x1  }
0x17: {  	s4 =	simm.s32 $0x1BF5;
	[smem:$0x3FB9] =	sst s0  }
0x18: {  	s0 =	sld [smem:$0x3F9C];
	_ =	swait.ge [sflag:s4], $0x0  }
0x19: {  	s7 =	sld [smem:$0x3F9D]  }
0x1a: {  	s8 =	sadd.s32 $0xFFFFE003, lr  }
0x1b: {  	s9 =	sadd.s32 $0xFFFFFEF7, lr;
	s5 =	simm.s32 $0xFFFFFFFF;
	p2 =	slt.u32 s8, $0xFFFFF086  }
0x1c: {  	p1 =	slt.u32 s9, $0xF7A;
	s5 =	simm.s32 @!p2 $0x0  }
0x1d: {  	s5 =	simm.s32 @p1 $0x1;
	p0 =	seq.s32 s7, s2  }
0x1e: {  	s7 =	smul.u32 @!p0 $0xF7A, s2;
	p2 =	seq.s32 @!p0 s5, $0x0  }
0x1f: {  	s9 =	smul.u32 $0xF7A, s1;
	s8 =	simm.s32 @!p0 $0x1BF5;
	p2 =	por !p2, p0  }
0x20: {  	[sflag:s8] =	ssyncset.s32 @!p0 $0xFFFFF086;
	s6 =	sadd.s32 @!p0 s3, s7;
	s7 =	simm.s32 @!p0 $0x108  }
0x21: {  	s3 =	sadd.s32 s3, s9;
	s6 =	sadd.s32 @!p0 $0x88, s6;
	s7 =	simm.s32 @p2 $0x1082  }
0x22: {  	[simem:s7], [sflag:s8] =	dma.local @!p0 [hbm:s6], $0xF7A  }
0x23: {  	s9 =	sor.u32 $0xD0000000, s2;
	s6 =	simm.s32 $0x108;
	_ =	swait.ge @!p0 [sflag:s8], $0x0  }
0x24: {  	s3 =	sadd.s32 $0x88, s3;
	s6 =	simm.s32 @!p1 $0x1082;
	[sflag:s4] =	ssyncset.s32 $0xFFFFF086  }
0x25: {  	[simem:s6], [sflag:s4] =	dma.local [hbm:s3], $0xF7A  }
0x26: {  	[smem:$0x3F9D] =	sst s1;
	(tag) =	ssettag s2;
	_ =	strace s9  }
0x27: {  	s1 =	sld [smem:$0x3FAD]  }
0x28: {  	s2 =	sld [smem:$0x3FAE]  }
0x29: {  	s4 =	sld [smem:$0x3FB0]  }
0x2a: {  	p0 =	seq.s32 s5, $0x0;
	s5 =	sld [smem:$0x3FB1]  }
0x2b: {  	s6 =	sld [smem:$0x3FB2]  }
0x2c: {  	s7 =	sld [smem:$0x3FB3]  }
0x2d: {  	s3 =	simm.s32 $0x108;
	s8 =	sld [smem:$0x3FB4]  }
0x2e: {  	s3 =	simm.s32 @!p0 $0x1082;
	s9 =	sld [smem:$0x3FB5]  }
0x2f: {  	lr =	sadd.s32 s0, s3;
	s0 =	sld [smem:$0x3FAC]  }
0x30: {  	s3 =	sld [smem:$0x3FAF]  }
0x31: {  	[smem:$0x3FB8] =	sst s10  }
0x32: {  	s10 =	sld [smem:$0x3FB6];
	_ =	sdelay $0x3  }
0x33: {  	p0 =	seq.s32 s10, $0x1;
	s10 =	sld [smem:$0x3FB8];
	_ =	sdelay $0x3  }
0x34: {  	[smem:$0x3FB8] =	sst s10  }
0x35: {  	s10 =	sld [smem:$0x3FB7];
	_ =	sdelay $0x3  }
0x36: {  	p1 =	seq.s32 s10, $0x1;
	s10 =	sld [smem:$0x3FB8];
	_ =	sdelay $0x3  }
0x37: {  	[smem:$0x3FB8] =	sst s10  }
0x38: {  	s10 =	sld [smem:$0x3FB9]  }
0x39: {  	_ = 	snop;
	(pc) =	sbr.ind lr, $3  }
0x3a: {  	_ = 	snop  }
0x3b: {  	_ = 	snop  }
0x3c: {  	p2 =	seq.s32 s10, $0x1;
	s10 =	sld [smem:$0x3FB8]  }
0x3d: {  	_ =	shalt  }
0x3e: {  	_ =	shalt  }
0x3f: {  	_ =	shalt  }
0x40: {  	_ =	shalt  }
0x41: {  	_ =	shalt  }
0x42: {  	_ =	shalt  }
0x43: {  	_ =	shalt  }
0x44: {  	_ =	shalt  }
0x45: {  	_ =	shalt  }
0x46: {  	_ =	shalt  }
0x47: {  	_ =	shalt  }
0x48: {  	_ =	shalt  }
0x49: {  	_ =	shalt  }
0x4a: {  	_ =	shalt  }
0x4b: {  	_ =	shalt  }
0x4c: {  	_ =	shalt  }
0x4d: {  	_ =	shalt  }
0x4e: {  	_ =	shalt  }
0x4f: {  	_ =	shalt  }
0x50: {  	_ =	shalt  }
0x51: {  	_ =	shalt  }
0x52: {  	_ =	shalt  }
0x53: {  	_ =	shalt  }
0x54: {  	_ =	shalt  }
0x55: {  	_ =	shalt  }
0x56: {  	_ =	shalt  }
0x57: {  	_ =	shalt  }
0x58: {  	_ =	shalt  }
0x59: {  	_ =	shalt  }
0x5a: {  	_ =	shalt  }
0x5b: {  	_ =	shalt  }
0x5c: {  	_ =	shalt  }
0x5d: {  	_ =	shalt  }
0x5e: {  	_ =	shalt  }
0x5f: {  	_ =	shalt  }
0x60: {  	_ =	shalt  }
0x61: {  	_ =	shalt  }
0x62: {  	_ =	shalt  }
0x63: {  	_ =	shalt  }
0x64: {  	_ =	shalt  }
0x65: {  	_ =	shalt  }
0x66: {  	_ =	shalt  }
0x67: {  	_ =	shalt  }
0x68: {  	_ =	shalt  }
0x69: {  	_ =	shalt  }
0x6a: {  	_ =	shalt  }
0x6b: {  	_ =	shalt  }
0x6c: {  	_ =	shalt  }
0x6d: {  	_ =	shalt  }
0x6e: {  	_ =	shalt  }
0x6f: {  	_ =	shalt  }
0x70: {  	_ =	shalt  }
0x71: {  	_ =	shalt  }
0x72: {  	_ =	shalt  }
0x73: {  	_ =	shalt  }
0x74: {  	_ =	shalt  }
0x75: {  	_ =	shalt  }
0x76: {  	_ =	shalt  }
0x77: {  	_ =	shalt  }
0x78: {  	_ =	shalt  }
0x79: {  	_ =	shalt  }
0x7a: {  	_ =	shalt  }
0x7b: {  	_ =	shalt  }
0x7c: {  	_ =	shalt  }
0x7d: {  	_ =	shalt  }
0x7e: {  	_ =	shalt  }
0x7f: {  	_ =	shalt  }
0x80: {  	_ =	shalt  }
0x81: {  	_ =	shalt  }
0x82: {  	_ =	shalt  }
0x83: {  	_ =	shalt  }
0x84: {  	_ =	shalt  }
0x85: {  	_ =	shalt  }
0x86: {  	_ =	shalt  }
0x87: {  	_ =	shalt  }
.Lfunc_end0:
.L_simem_size_0:
called_computation_lowered:
.L_overlay_start_0:
0x88: {  	s2 =	sld [smem:$0x3FD9]  }
0x89: {  	s3 =	sld [smem:$0x3FFE];
	_ =	sdelay $0x1  }
0x8a: {  	s1 =	srdreg.scid  }
0x8b: {  	s0 =	sand.u32 $0x1, s1  }
0x8c: {  	s17 =	sshll.u32 s0, $0xA;
	s2 =	sadd.s32 s3, s2  }
0x8d: {  	s2 =	sadd.s32 s2, s17  }
0x8e: {  	[smem:$0x3FC4] =	sst s2  }
0x8f: {  	_ = 	snop  }
0x90: {  	s2 =	sld [smem:$0x3FC9]  }
0x91: {  	s18 =	sld [smem:$0x3FD0];
	(tm) =	ssettm $0x1  }
0x92: {  	s4 =	sld [smem:$0x3FFB];
	_ =	sdelay $0x3  }
0x93: {  	_ =	strace s4  }
0x94: {  	s4 =	sld [smem:$0x3FFC];
	_ =	sdelay $0x3  }
0x95: {  	_ =	strace s4  }
0x96: {  	s4 =	sld [smem:$0x3FFD];
	_ =	sdelay $0x3  }
0x97: {  	_ =	strace s4  }
0x98: {  	_ =	strace $0x8FFFFFFF  }
0x99: {  	s19 =	sld [smem:$0x3FDB];
	_ =	sdelay $0x1  }
0x9a: {  	s5 =	simm.s32 $_scs_section_size  }
0x9b: {  	s6 =	simm.s32 $_size__tile_overlayer_lowered;
	s7 =	simm.s32 $_tile_overlayer_lowered  }
0x9c: {  	s22 =	simm.s32 $0x1BFF;
	s21 =	sshll.u32 s7, $0x1;
	s4 =	sadd.s32 s5, s19  }
0x9d: {  	s8 =	simm.s32 $0x0;
	s20 =	sshll.u32 s6, $0x1;
	s6 =	sadd.s32 s21, s4  }
0x9e: {  	[timem:s8], [sflag:s22] =	dma.local [hbm:s6], s20  }
0x9f: {  	_ =	swait.ge [sflag:s22], s20  }
0xa0: {  	s5 =	ssub.s32 $0x0, s20;
	[sflag:s22] =	ssyncset.done $0x0  }
0xa1: {  	[sflag:s22] =	ssyncadd.s32 s5;
	_ =	sdelay $0x1  }
0xa2: {  	s23 =	simm.s32 $0x1B8B  }
0xa3: {  	_ =	swait.ge [sflag:s23], $0x1  }
0xa4: {  	[sflag:s23] =	ssyncset.done $0x0  }
0xa5: {  	s25 =	simm.s32 $0x1B8E;
	s24 =	sld [smem:$0x3FFE];
	[sflag:s23] =	ssyncadd.s32 $0xFFFFFFFF  }
0xa6: {  	s26 =	simm.s32 $execute0_lowered;
	[smem:$0x3FD2] =	sst s25  }
0xa7: {  	s6 =	sshll.u32 s26, $0x1;
	_ =	strace $0x80000046;
	[dreg:$0x1] =	wrdreg $0xFFFFFFFF  }
0xa8: {  	s28 =	simm.s32 $_size_execute0_lowered;
	s4 =	sadd.s32 s4, s6;
	[dreg:$0x0] =	wrdreg $0x0  }
0xa9: {  	s6 =	sshll.u32 s28, $0x1;
	[dreg:$0x2] =	wrdreg s4  }
0xaa: {  	[dreg:$0x3] =	wrdreg s6  }
0xab: {  	[dreg:$0x4] =	wrdreg $0xC0  }
0xac: {  	_ =	task [dreg:s8], $0x5FFFF  }
0xad: {  	[dreg:$0x1] =	wrdreg $0xFFFFFFFF  }
0xae: {  	[dreg:$0x0] =	wrdreg $0x60  }
0xaf: {  	[dreg:$0x2] =	wrdreg s2  }
0xb0: {  	[dreg:$0x3] =	wrdreg s24  }
0xb1: {  	[dreg:$0x4] =	wrdreg s18  }
0xb2: {  	[dreg:$0x5] =	wrdreg $0x9  }
0xb3: {  	_ =	task.clear_ibuf [dreg:s8], $0x6FFFF;
	_ =	strace $0x90000046  }
0xb4: {  	s29 =	simm.s32 $0x9;
	_ =	strace $0x80000048  }
0xb5: {  	_ =	swait.ge [sflag:s29], $0x1  }
0xb6: {  	[sflag:s29] =	ssyncadd.s32 $0xFFFFFFFF  }
0xb7: {  	_ =	strace $0x90000048  }
0xb8: {  	_ =	sfence  }
0xb9: {  	s30 =	sld [smem:$0x0];
	_ =	sdelay $0x2  }
0xba: {  	s31 =	sshll.u32 s1, $0xD;
	s1 =	sshrl.u32 s1, $0x2  }
0xbb: {  	s3 =	sand.u32 $0x4000, s31;
	s1 =	sadd.s32 s1, s30  }
0xbc: {  	s0 =	sor.u32 s3, s0;
	s1 =	sshll.u32 s1, $0x11  }
0xbd: {  	s0 =	sor.u32 s1, s0  }
0xbe: {  	s0 =	sadd.s32 $0x8F2B, s0  }
0xbf: {  	[sflag:s0] =	ssyncadd.remote.s32 $0x1  }
0xc0: {  	_ =	sfence.sel $0xFFFF  }
0xc1: {  	[dreg:$0x0] =	wrdreg $0xFFFFFFFF;
	(pc) =	sbr.abs _section_cstart, $3  }
0xc2: {  	[dreg:$0x1] =	wrdreg $0xFFFFFFFF  }
0xc3: {  	_ =	task.clear_ibuf [dreg:s8], $0x2FFFF;
	_ =	strace $0x9FFFFFFF  }
0xc4: {  	(tm) =	ssettm $0x7FFFFFFF  }
0xc5: {  	_ =	shalt  }
tec
execute0_lowered:
.L_overlay_start_1:
0x0: {  	(tag) =	ssettag $0x1  }
0x1: {  	s5 =	rddreg [dreg:$0x0]  }
0x2: {  	s4 =	rddreg [dreg:$0x1]  }
0x3: {  	s6 =	rddreg [dreg:$0x2]  }
0x4: {  	s0 =	rddreg [dreg:$0x3];
	s2 =	simm.s32 $0x0;
	s3 =	srdreg.scid  }
0x5: {  	s1 =	stileid.u32;
	s11 =	simm.s32 $0x1;
	s12 =	simm.s32 $0x880  }
0x6: {  	s13 =	simm.s32 $0x1880;
	s14 =	simm.s32 $0x2100;
	s15 =	simm.s32 $0x1A900  }
0x7: {  	[smem:$0x7FF] =	sst s2;
	s3 =	sand.u32 $0x1, s3;
	s7 =	sshll.u32 s1, $0x1  }
0x8: {  	s16 =	simm.s32 $0x0;
	_ =	strace $0x80000047;
	s7 =	sor.u32 s3, s7  }
0x9: {  	s9 =	ssub.s32 $0x2, s3;
	s3 =	sadd.s32 $0xF43000, s4;
	s10 =	smul.u32 $0x1880, s7  }
0xa: {  	s8 =	sshll.u32 s7, $0x1;
	s30 =	sshrl.u32 s9, $0x1;
	s31 =	sshll.u32 s7, $0x4  }
0xb: {  	s7 =	sshll.u32 s7, $0x8;
	s8 =	sadd.s32 s8, s4;
	s10 =	sshrl.u32 s10, $0x3  }
0xc: {  	s9 =	ssub.s32 s9, s30;
	s4 =	sadd.s32 s5, s31;
	s10 =	sadd.s32 s5, s10  }
0xd: {  	s5 =	sadd.s32 s6, s7;
	s7 =	sadd.s32 $0xC00, s8;
	s8 =	smax.u32 s9, $0x1  }
0xe: {  	s9 =	simm.s32 $0x2;
	s6 =	sadd.s32 $0x200, s10;
	s10 =	simm.s32 $0x80  }
.LBB2_1:
0xf: {  	[tilespmem:s2], [sflag:$0x2] =	stream.linear.gather [hbm4b:s4+s2], $0x80, $0x38;
	[tilespmem:$0x1A910] =	vst v63  }
0x10: {  	_ =	swait.ge [sflag:s9], $0x80  }
0x11: {  	[sflag:s9] =	ssyncset.done $0x0  }
0x12: {  	[sflag:s9] =	ssyncadd.s32 $0xFFFFFF80  }
0x13: {  	[tilespmem:s10], [sflag:$0x1] =	stream.indirect.gather [hbm4b:s3+s10], $0x10, s2, s10, $0xb8;
	[tilespmem:$0x1A910] =	vst v63  }
0x14: {  	_ =	swait.ge [sflag:s11], $0x800  }
0x15: {  	[sflag:s11] =	ssyncset.done $0x0  }
0x16: {  	[sflag:s11] =	ssyncadd.s32 $0xFFFFF800  }
0x17: {  	[hbm4b:s5+s2] =	stream.linear.scatter [tilespmem:s10], [sflag:$0x2], $0x800, $0x38;
	[tilespmem:$0x1A910] =	vst v63  }
0x18: {  	_ =	swait.ge [sflag:s9], $0x800  }
0x19: {  	[sflag:s9] =	ssyncset.done $0x0  }
0x1a: {  	[sflag:s9] =	ssyncadd.s32 $0xFFFFF800  }
0x1b: {  	[tilespmem:s12], [sflag:$0x2] =	stream.linear.gather [hbm4b:s6+s2], $0x1880, $0x38;
	[tilespmem:$0x1A910] =	vst v63  }
0x1c: {  	_ =	swait.ge [sflag:s9], $0x1880  }
0x1d: {  	[sflag:s9] =	ssyncset.done $0x0  }
0x1e: {  	[sflag:s9] =	ssyncadd.s32 $0xFFFFE780  }
0x1f: {  	[tilespmem:s14], [sflag:$0x1] =	stream.indirect.gather [hbm4b:s3+s13], $0x10, s12, s13, $0xb8;
	[tilespmem:$0x1A910] =	vst v63  }
0x20: {  	_ =	swait.ge [sflag:s11], $0x18800  }
0x21: {  	[sflag:s11] =	ssyncset.done $0x0  }
0x22: {  	s18 =	simm.s32 $0x0;
	[sflag:s11] =	ssyncadd.s32 $0xFFFE7800  }
0x23: {  	v0 =	vimm.f32 $0.0e+00;
	s17 =	simm.s32 $0x40;
	v1 =	vld [tilespmem:s18+$0x2100]  }
.LBB2_2:
0x24: {  	p0 =	sne.s32 s17, $0x61FC0  }
.Ltmp0:
0x25: {  	_ = 	snop;
	(pc) =	sbr.rel @p0 .LBB2_2-.Ltmp0, $3  }
0x26: {  	_ =	sdelay $0x1  }
0x27: {  	s18 =	sshra.s32 s17, $0x2;
	s17 =	sadd.s32 $0x40, s17;
	v0 =	vadd.f32 v1, v0  }
0x28: {  	v1 =	vld [tilespmem:s18+$0x2100]  }
0x29: {  	_ =	sdelay $0x3  }
0x2a: {  	s16 =	sadd.s32 $0x1, s16;
	v0 =	vadd.f32 v1, v0  }
0x2b: {  	p0 =	sne.s32 s16, s8  }
.Ltmp1:
0x2c: {  	[tilespmem:$0x1A900] =	vst v0;
	(pc) =	sbr.rel @p0 .LBB2_1-.Ltmp1, $4  }
0x2d: {  	[hbm4b:s7+s2] =	stream.linear.scatter [tilespmem:s15], [sflag:$0x2], $0x10, $0x38;
	[tilespmem:$0x1A910] =	vst v63  }
0x2e: {  	_ =	swait.ge [sflag:s9], $0x10  }
0x2f: {  	[sflag:s9] =	ssyncset.done $0x0  }
0x30: {  	[sflag:s9] =	ssyncadd.s32 $0xFFFFFFF0  }
0x31: {  	_ =	sfence.sel $0x180000  }
0x32: {  	[bflag:$0x0] =	sbarrier.arrive $0xFFFF  }
0x33: {  	p0 =	sne.s32 s1, $0x0;
	_ =	strace $0x90000047  }
0x34: {  	s0 =	sadd.s32 @!p0 $0x100000, s0;
	[bflag:$0x2] =	sbarrier.arrive $0xFFFF  }
0x35: {  	[sflag:s0] =	ssyncadd.tile.s32 @!p0 $0x1;
	_ =	shalt  }
.Lfunc_end2:
_tile_overlayer_lowered:
.L_overlay_start_2:
0x36: {  	(tag) =	ssettag $0x2  }
0x37: {  	s0 =	rddreg [dreg:$0x0];
	s2 =	stileid.u32  }
0x38: {  	s1 =	rddreg [dreg:$0x1];
	p0 =	sne.s32 s2, $0x0  }
0x39: {  	s3 =	rddreg [dreg:$0x2];
	[bflag:$0x3] =	sbarrier.arrive $0xFFFF;
	s2 =	simm.s32 @!p0 $0x1C02  }
0x3a: {  	[timem:s3], [sflag:s2] =	dma.local @!p0 [hbm:s0], s1  }
0x3b: {  	s0 =	simm.s32 @!p0 $0x2  }
0x3c: {  	_ =	swait.ge @!p0 [sflag:s0], s1  }
0x3d: {  	s1 =	ssub.s32 @!p0 $0x0, s1;
	[sflag:s0] =	ssyncset.done @!p0 $0x0  }
0x3e: {  	[sflag:s0] =	ssyncadd.s32 @!p0 s1  }
0x3f: {  	[bflag:$0x3] =	sbarrier.arrive $0xFFFF  }
0x40: {  	_ =	shalt  }

</sc_bundles>
